<compile_context>
chip_gen: v7x
topology: tpu7x:2x2x1
jax: 0.10.2.dev20260603
libtpu: 0.0.44.dev20260713+nightly
codegen_flags: <defaults>
</compile_context>

<pallas_src>
import functools

import jax
import jax.numpy as jnp
from jax import lax
from jax.experimental import pallas as pl
from jax.experimental.pallas import tpu as pltpu
from jax.experimental.pallas import tpu_sc as plsc

NUM_WORKERS = 32
CHUNK = 128
NBUF = 4
SKEW = 1


def kernel(class_ids, table):
    B, T = class_ids.shape
    V, D = table.shape
    total = B * T
    per_w = total // NUM_WORKERS
    n_chunks = per_w // CHUNK
    ids2d = class_ids.reshape(total // CHUNK, CHUNK).astype(jnp.int32)

    mesh = plsc.VectorSubcoreMesh(core_axis_name="c", subcore_axis_name="s")

    @functools.partial(
        pl.kernel,
        out_type=jax.ShapeDtypeStruct((total, D), jnp.float32),
        mesh=mesh,
        scratch_types=[
            pltpu.VMEM((n_chunks, CHUNK), jnp.int32),
            [pltpu.VMEM((CHUNK, D), jnp.float32) for _ in range(NBUF)],
            pltpu.VMEM_SHARED((V, D), jnp.float32),
            pltpu.SemaphoreType.DMA((NBUF,)),
            pltpu.SemaphoreType.DMA((NBUF,)),
            pltpu.SemaphoreType.DMA,
        ],
    )
    def sc_gather(ids_hbm, table_hbm, out_hbm, idx_v, bufs, table_sh, gsem, ssem,
                  tsem):
        wid = lax.axis_index("s") * 2 + lax.axis_index("c")

        tstage = pltpu.make_async_copy(table_hbm, table_sh, tsem)

        @pl.when(lax.axis_index("s") == 0)
        def _():
            tstage.start()

        pltpu.sync_copy(ids_hbm.at[pl.ds(wid * n_chunks, n_chunks)], idx_v)

        @pl.when(lax.axis_index("s") == 0)
        def _():
            tstage.wait()

        plsc.subcore_barrier()
        base = wid * per_w

        def gather(j, b):
            return pltpu.make_async_copy(
                table_sh.at[idx_v.at[j]], bufs[b], gsem.at[b])

        def scatter(j, b):
            return pltpu.make_async_copy(
                bufs[b], out_hbm.at[pl.ds(base + j * CHUNK, CHUNK)], ssem.at[b])

        for b in range(NBUF):
            gather(b, b).start()

        @pl.loop(0, n_chunks // NBUF)
        def _(g):
            for b in range(NBUF):
                j = g * NBUF + b
                gather(j, b).wait()
                scatter(j, b).start()
                jp = j - SKEW
                bp = (b - SKEW) % NBUF

                @pl.when(jp >= 0)
                def _():
                    scatter(jp, bp).wait()

                    @pl.when(jp + NBUF < n_chunks)
                    def _():
                        gather(jp + NBUF, bp).start()

        for j in range(n_chunks - SKEW, n_chunks):
            scatter(j, j % NBUF).wait()

    out = sc_gather(ids2d, table)
    return out.reshape(B, T, D)

# --- scband reference (transcript-rebuilt; emitter-appended) ---
"""Pipeline reference for scband-class-encoder-15650860827178 (READ-ONLY COPY).

The authoritative reference and input builder live on the scoring server;
editing this copy changes nothing except your own understanding.
"""

import jax, jax.numpy as jnp
import numpy as np

NUM_CLASSES = 100
EMBED_DIM = 128
PAD_ID = NUM_CLASSES  # padding_idx row of the embedding table
BATCH = 4096
MAX_LEN = 32


def setup_inputs(seed: int = 0) -> dict:
    key = jax.random.key(seed)
    k1, k2 = jax.random.split(key)
    # class_ids as produced by ClassTokenizer.tokenize (values in [0, NUM_CLASSES], pad = NUM_CLASSES)
    class_ids = jax.random.randint(k1, (BATCH, MAX_LEN), 0, NUM_CLASSES)
    # learned parameter: embedding table [num_classes + 1, embedding_dim];
    # initialize_weights() uses normal(0, 0.02); nn.Embedding zeroes the padding row.
    table = jax.random.normal(k2, (NUM_CLASSES + 1, EMBED_DIM), dtype=jnp.float32) * 0.02
    table = table.at[PAD_ID].set(0.0)
    return {"class_ids": class_ids, "table": table}


def reference(class_ids, table):
    # ClassEncoder.encode_prompts embedding lookup: self.embedding(class_ids)
    embeddings = jnp.take(table, class_ids, axis=0)
    return embeddings

if __name__ == "__main__":
    import jax
    _d = setup_inputs()
    print(jax.jit(kernel)(*tuple(_d.values())))

</pallas_src>

<mosaic_0001>
#map = affine_map<(d0, d1) -> (0, 0)>
module attributes {stable_mosaic.version = 14 : i64} {
  func.func @sc_gather(%arg0: i32, %arg1: i32, %arg2: memref<1024x128xi32, #tpu.memory_space<hbm>>, %arg3: memref<101x128xf32, #tpu.memory_space<hbm>>, %arg4: memref<131072x128xf32, #tpu.memory_space<hbm>>, %arg5: memref<32x128xi32, #tpu.memory_space<vmem>>, %arg6: memref<128x128xf32, #tpu.memory_space<vmem>>, %arg7: memref<128x128xf32, #tpu.memory_space<vmem>>, %arg8: memref<128x128xf32, #tpu.memory_space<vmem>>, %arg9: memref<128x128xf32, #tpu.memory_space<vmem>>, %arg10: memref<101x128xf32, #tpu.memory_space<vmem_shared>>, %arg11: memref<4x!tpu.dma_semaphore, #tpu.memory_space<semaphore_mem>>, %arg12: memref<4x!tpu.dma_semaphore, #tpu.memory_space<semaphore_mem>>, %arg13: memref<!tpu.dma_semaphore, #tpu.memory_space<semaphore_mem>>) attributes {dimension_semantics = [#tpu.dimension_semantics<core_parallel>, #tpu.dimension_semantics<subcore_parallel>], iteration_bounds = array<i64: 2, 16>, scalar_prefetch = 0 : i64, scratch_operands = 9 : i64, tpu.core_type = #tpu.core_type<sc_vector_subcore>, window_params = [{transform_indices = #map}, {transform_indices = #map}, {transform_indices = #map}]} {
    %mul3A = arith.constant 2 : i32
    %mul3A_0 = arith.muli %arg1, %mul3A : i32
    %add3A = arith.addi %mul3A_0, %arg0 : i32
    %eq3A = arith.constant 0 : i32
    %eq3A_1 = arith.cmpi eq, %arg1, %eq3A : i32
    %convert_element_type3A = arith.extui %eq3A_1 : i1 to i32
    %cond3A = arith.constant 0 : i32
    %cond3A_2 = arith.cmpi ne, %convert_element_type3A, %cond3A : i32
    scf.if %cond3A_2 {
      tpu.enqueue_dma source(%arg3 : memref<101x128xf32, #tpu.memory_space<hbm>>) target(%arg10 : memref<101x128xf32, #tpu.memory_space<vmem_shared>>) target_semaphore(%arg13 : memref<!tpu.dma_semaphore, #tpu.memory_space<semaphore_mem>>)
    } else {
    }
    %mul3A_3 = arith.constant 32 : i32
    %mul3A_4 = arith.muli %add3A, %mul3A_3 : i32
    "tpu.region"() ({
      %run_scoped3A = tpu.sem_alloc : memref<!tpu.dma_semaphore, #tpu.memory_space<semaphore_mem>>
      %dma_start3A_63 = arith.constant 0 : i32
      %dma_start3A_64 = tpu.memref_slice %arg2[%mul3A_4, %dma_start3A_63] : memref<1024x128xi32, #tpu.memory_space<hbm>> -> memref<32x128xi32, #tpu.memory_space<hbm>>
      %dma_start3A_65 = arith.constant 0 : i32
      %dma_start3A_66 = tpu.memref_slice %arg2[%mul3A_4, %dma_start3A_65] : memref<1024x128xi32, #tpu.memory_space<hbm>> -> memref<32x128xi32, #tpu.memory_space<hbm>>
      tpu.enqueue_dma source(%dma_start3A_66 : memref<32x128xi32, #tpu.memory_space<hbm>>) target(%arg5 : memref<32x128xi32, #tpu.memory_space<vmem>>) target_semaphore(%run_scoped3A : memref<!tpu.dma_semaphore, #tpu.memory_space<semaphore_mem>>)
      %dma_wait3A_67 = arith.constant 0 : i32
      %dma_wait3A_68 = tpu.memref_slice %arg2[%mul3A_4, %dma_wait3A_67] : memref<1024x128xi32, #tpu.memory_space<hbm>> -> memref<32x128xi32, #tpu.memory_space<hbm>>
      %dma_wait3A_69 = arith.constant 0 : i32
      %dma_wait3A_70 = tpu.memref_slice %arg2[%mul3A_4, %dma_wait3A_69] : memref<1024x128xi32, #tpu.memory_space<hbm>> -> memref<32x128xi32, #tpu.memory_space<hbm>>
      tpu.wait_dma2 semaphore(%run_scoped3A : memref<!tpu.dma_semaphore, #tpu.memory_space<semaphore_mem>>) src(%dma_wait3A_70 : memref<32x128xi32, #tpu.memory_space<hbm>>) dst(%arg5 : memref<32x128xi32, #tpu.memory_space<vmem>>)
      tpu.yield
    }) : () -> ()
    %eq3A_5 = arith.constant 0 : i32
    %eq3A_6 = arith.cmpi eq, %arg1, %eq3A_5 : i32
    %convert_element_type3A_7 = arith.extui %eq3A_6 : i1 to i32
    %cond3A_8 = arith.constant 0 : i32
    %cond3A_9 = arith.cmpi ne, %convert_element_type3A_7, %cond3A_8 : i32
    scf.if %cond3A_9 {
      tpu.wait_dma2 semaphore(%arg13 : memref<!tpu.dma_semaphore, #tpu.memory_space<semaphore_mem>>) src(%arg3 : memref<101x128xf32, #tpu.memory_space<hbm>>) dst(%arg10 : memref<101x128xf32, #tpu.memory_space<vmem_shared>>)
    } else {
    }
    %barrier3A = arith.constant 0 : index
    tpu.barrier barrier_id(%barrier3A)
    %mul3A_10 = arith.constant 4096 : i32
    %mul3A_11 = arith.muli %add3A, %mul3A_10 : i32
    %dma_start3A = arith.constant 0 : i32
    %dma_start3A_12 = arith.constant 0 : i32
    %dma_start3A_13 = arith.constant 0 : i32
    %dma_start3A_14 = tpu.memref_slice %arg5[%dma_start3A, %dma_start3A_13] : memref<32x128xi32, #tpu.memory_space<vmem>> -> memref<1x128xi32, #tpu.memory_space<vmem>>
    %dma_start3A_15 = tpu.memref_squeeze %dma_start3A_14 : memref<1x128xi32, #tpu.memory_space<vmem>> -> memref<128xi32, #tpu.memory_space<vmem>>
    %dma_start3A_16 = arith.constant 0 : i32
    %dma_start3A_17 = arith.constant 0 : i32
    %dma_start3A_18 = tpu.memref_slice %arg10[%dma_start3A_16, %dma_start3A_17] : memref<101x128xf32, #tpu.memory_space<vmem_shared>> -> memref<101x128xf32, #tpu.memory_space<vmem_shared>>
    %dma_start3A_19 = tpu.memref_slice %arg11[%dma_start3A_12] : memref<4x!tpu.dma_semaphore, #tpu.memory_space<semaphore_mem>> -> memref<1x!tpu.dma_semaphore, #tpu.memory_space<semaphore_mem>>
    %dma_start3A_20 = tpu.memref_squeeze %dma_start3A_19 : memref<1x!tpu.dma_semaphore, #tpu.memory_space<semaphore_mem>> -> memref<!tpu.dma_semaphore, #tpu.memory_space<semaphore_mem>>
    tpu.enqueue_indirect_dma source(%dma_start3A_18 : memref<101x128xf32, #tpu.memory_space<vmem_shared>>) target(%arg6 : memref<128x128xf32, #tpu.memory_space<vmem>>) offsets(%dma_start3A_15 : memref<128xi32, #tpu.memory_space<vmem>>) semaphore(%dma_start3A_20 : memref<!tpu.dma_semaphore, #tpu.memory_space<semaphore_mem>>)
    %dma_start3A_21 = arith.constant 1 : i32
    %dma_start3A_22 = arith.constant 1 : i32
    %dma_start3A_23 = arith.constant 0 : i32
    %dma_start3A_24 = tpu.memref_slice %arg5[%dma_start3A_21, %dma_start3A_23] : memref<32x128xi32, #tpu.memory_space<vmem>> -> memref<1x128xi32, #tpu.memory_space<vmem>>
    %dma_start3A_25 = tpu.memref_squeeze %dma_start3A_24 : memref<1x128xi32, #tpu.memory_space<vmem>> -> memref<128xi32, #tpu.memory_space<vmem>>
    %dma_start3A_26 = arith.constant 0 : i32
    %dma_start3A_27 = arith.constant 0 : i32
    %dma_start3A_28 = tpu.memref_slice %arg10[%dma_start3A_26, %dma_start3A_27] : memref<101x128xf32, #tpu.memory_space<vmem_shared>> -> memref<101x128xf32, #tpu.memory_space<vmem_shared>>
    %dma_start3A_29 = tpu.memref_slice %arg11[%dma_start3A_22] : memref<4x!tpu.dma_semaphore, #tpu.memory_space<semaphore_mem>> -> memref<1x!tpu.dma_semaphore, #tpu.memory_space<semaphore_mem>>
    %dma_start3A_30 = tpu.memref_squeeze %dma_start3A_29 : memref<1x!tpu.dma_semaphore, #tpu.memory_space<semaphore_mem>> -> memref<!tpu.dma_semaphore, #tpu.memory_space<semaphore_mem>>
    tpu.enqueue_indirect_dma source(%dma_start3A_28 : memref<101x128xf32, #tpu.memory_space<vmem_shared>>) target(%arg7 : memref<128x128xf32, #tpu.memory_space<vmem>>) offsets(%dma_start3A_25 : memref<128xi32, #tpu.memory_space<vmem>>) semaphore(%dma_start3A_30 : memref<!tpu.dma_semaphore, #tpu.memory_space<semaphore_mem>>)
    %dma_start3A_31 = arith.constant 2 : i32
    %dma_start3A_32 = arith.constant 2 : i32
    %dma_start3A_33 = arith.constant 0 : i32
    %dma_start3A_34 = tpu.memref_slice %arg5[%dma_start3A_31, %dma_start3A_33] : memref<32x128xi32, #tpu.memory_space<vmem>> -> memref<1x128xi32, #tpu.memory_space<vmem>>
    %dma_start3A_35 = tpu.memref_squeeze %dma_start3A_34 : memref<1x128xi32, #tpu.memory_space<vmem>> -> memref<128xi32, #tpu.memory_space<vmem>>
    %dma_start3A_36 = arith.constant 0 : i32
    %dma_start3A_37 = arith.constant 0 : i32
    %dma_start3A_38 = tpu.memref_slice %arg10[%dma_start3A_36, %dma_start3A_37] : memref<101x128xf32, #tpu.memory_space<vmem_shared>> -> memref<101x128xf32, #tpu.memory_space<vmem_shared>>
    %dma_start3A_39 = tpu.memref_slice %arg11[%dma_start3A_32] : memref<4x!tpu.dma_semaphore, #tpu.memory_space<semaphore_mem>> -> memref<1x!tpu.dma_semaphore, #tpu.memory_space<semaphore_mem>>
    %dma_start3A_40 = tpu.memref_squeeze %dma_start3A_39 : memref<1x!tpu.dma_semaphore, #tpu.memory_space<semaphore_mem>> -> memref<!tpu.dma_semaphore, #tpu.memory_space<semaphore_mem>>
    tpu.enqueue_indirect_dma source(%dma_start3A_38 : memref<101x128xf32, #tpu.memory_space<vmem_shared>>) target(%arg8 : memref<128x128xf32, #tpu.memory_space<vmem>>) offsets(%dma_start3A_35 : memref<128xi32, #tpu.memory_space<vmem>>) semaphore(%dma_start3A_40 : memref<!tpu.dma_semaphore, #tpu.memory_space<semaphore_mem>>)
    %dma_start3A_41 = arith.constant 3 : i32
    %dma_start3A_42 = arith.constant 3 : i32
    %dma_start3A_43 = arith.constant 0 : i32
    %dma_start3A_44 = tpu.memref_slice %arg5[%dma_start3A_41, %dma_start3A_43] : memref<32x128xi32, #tpu.memory_space<vmem>> -> memref<1x128xi32, #tpu.memory_space<vmem>>
    %dma_start3A_45 = tpu.memref_squeeze %dma_start3A_44 : memref<1x128xi32, #tpu.memory_space<vmem>> -> memref<128xi32, #tpu.memory_space<vmem>>
    %dma_start3A_46 = arith.constant 0 : i32
    %dma_start3A_47 = arith.constant 0 : i32
    %dma_start3A_48 = tpu.memref_slice %arg10[%dma_start3A_46, %dma_start3A_47] : memref<101x128xf32, #tpu.memory_space<vmem_shared>> -> memref<101x128xf32, #tpu.memory_space<vmem_shared>>
    %dma_start3A_49 = tpu.memref_slice %arg11[%dma_start3A_42] : memref<4x!tpu.dma_semaphore, #tpu.memory_space<semaphore_mem>> -> memref<1x!tpu.dma_semaphore, #tpu.memory_space<semaphore_mem>>
    %dma_start3A_50 = tpu.memref_squeeze %dma_start3A_49 : memref<1x!tpu.dma_semaphore, #tpu.memory_space<semaphore_mem>> -> memref<!tpu.dma_semaphore, #tpu.memory_space<semaphore_mem>>
    tpu.enqueue_indirect_dma source(%dma_start3A_48 : memref<101x128xf32, #tpu.memory_space<vmem_shared>>) target(%arg9 : memref<128x128xf32, #tpu.memory_space<vmem>>) offsets(%dma_start3A_45 : memref<128xi32, #tpu.memory_space<vmem>>) semaphore(%dma_start3A_50 : memref<!tpu.dma_semaphore, #tpu.memory_space<semaphore_mem>>)
    %scan3A = arith.constant 0 : i32
    %scan3A_51 = arith.constant 8 : i32
    %scan3A_52 = arith.addi %scan3A, %scan3A_51 : i32
    %scan3A_53 = arith.constant 1 : i32
    scf.for %scan3A_63 = %scan3A to %scan3A_52 step %scan3A_53  : i32 {
      %mul3A_64 = arith.constant 1 : i32
      %mul3A_65 = arith.muli %scan3A_63, %mul3A_64 : i32
      %add3A_66 = arith.constant 0 : i32
      %add3A_67 = arith.addi %add3A_66, %mul3A_65 : i32
      %mul3A_68 = arith.constant 4 : i32
      %mul3A_69 = arith.muli %add3A_67, %mul3A_68 : i32
      %add3A_70 = arith.constant 0 : i32
      %add3A_71 = arith.addi %mul3A_69, %add3A_70 : i32
      %dma_wait3A_72 = arith.constant 0 : i32
      %dma_wait3A_73 = arith.constant 0 : i32
      %dma_wait3A_74 = tpu.memref_slice %arg5[%add3A_71, %dma_wait3A_73] : memref<32x128xi32, #tpu.memory_space<vmem>> -> memref<1x128xi32, #tpu.memory_space<vmem>>
      %dma_wait3A_75 = tpu.memref_squeeze %dma_wait3A_74 : memref<1x128xi32, #tpu.memory_space<vmem>> -> memref<128xi32, #tpu.memory_space<vmem>>
      %dma_wait3A_76 = arith.constant 0 : i32
      %dma_wait3A_77 = arith.constant 0 : i32
      %dma_wait3A_78 = tpu.memref_slice %arg10[%dma_wait3A_76, %dma_wait3A_77] : memref<101x128xf32, #tpu.memory_space<vmem_shared>> -> memref<101x128xf32, #tpu.memory_space<vmem_shared>>
      %dma_wait3A_79 = tpu.memref_slice %arg11[%dma_wait3A_72] : memref<4x!tpu.dma_semaphore, #tpu.memory_space<semaphore_mem>> -> memref<1x!tpu.dma_semaphore, #tpu.memory_space<semaphore_mem>>
      %dma_wait3A_80 = tpu.memref_squeeze %dma_wait3A_79 : memref<1x!tpu.dma_semaphore, #tpu.memory_space<semaphore_mem>> -> memref<!tpu.dma_semaphore, #tpu.memory_space<semaphore_mem>>
      tpu.wait_indirect_dma semaphore(%dma_wait3A_80 : memref<!tpu.dma_semaphore, #tpu.memory_space<semaphore_mem>>) src(%dma_wait3A_78 : memref<101x128xf32, #tpu.memory_space<vmem_shared>>) dst(%arg6 : memref<128x128xf32, #tpu.memory_space<vmem>>)
      %mul3A_81 = arith.constant 128 : i32
      %mul3A_82 = arith.muli %add3A_71, %mul3A_81 : i32
      %add3A_83 = arith.addi %mul3A_11, %mul3A_82 : i32
      %dma_start3A_84 = arith.constant 0 : i32
      %dma_start3A_85 = arith.constant 0 : i32
      %dma_start3A_86 = tpu.memref_slice %arg4[%add3A_83, %dma_start3A_85] : memref<131072x128xf32, #tpu.memory_space<hbm>> -> memref<128x128xf32, #tpu.memory_space<hbm>>
      %dma_start3A_87 = tpu.memref_slice %arg12[%dma_start3A_84] : memref<4x!tpu.dma_semaphore, #tpu.memory_space<semaphore_mem>> -> memref<1x!tpu.dma_semaphore, #tpu.memory_space<semaphore_mem>>
      %dma_start3A_88 = tpu.memref_squeeze %dma_start3A_87 : memref<1x!tpu.dma_semaphore, #tpu.memory_space<semaphore_mem>> -> memref<!tpu.dma_semaphore, #tpu.memory_space<semaphore_mem>>
      %dma_start3A_89 = arith.constant 0 : i32
      %dma_start3A_90 = tpu.memref_slice %arg4[%add3A_83, %dma_start3A_89] : memref<131072x128xf32, #tpu.memory_space<hbm>> -> memref<128x128xf32, #tpu.memory_space<hbm>>
      tpu.enqueue_dma source(%arg6 : memref<128x128xf32, #tpu.memory_space<vmem>>) target(%dma_start3A_90 : memref<128x128xf32, #tpu.memory_space<hbm>>) target_semaphore(%dma_start3A_88 : memref<!tpu.dma_semaphore, #tpu.memory_space<semaphore_mem>>)
      %sub3A = arith.constant 1 : i32
      %sub3A_91 = arith.subi %add3A_71, %sub3A : i32
      %ge3A = arith.constant 0 : i32
      %ge3A_92 = arith.cmpi sge, %sub3A_91, %ge3A : i32
      %convert_element_type3A_93 = arith.extui %ge3A_92 : i1 to i32
      %cond3A_94 = arith.constant 0 : i32
      %cond3A_95 = arith.cmpi ne, %convert_element_type3A_93, %cond3A_94 : i32
      scf.if %cond3A_95 {
        %mul3A_186 = arith.constant 128 : i32
        %mul3A_187 = arith.muli %sub3A_91, %mul3A_186 : i32
        %add3A_188 = arith.addi %mul3A_11, %mul3A_187 : i32
        %dma_wait3A_189 = arith.constant 3 : i32
        %dma_wait3A_190 = arith.constant 0 : i32
        %dma_wait3A_191 = tpu.memref_slice %arg4[%add3A_188, %dma_wait3A_190] : memref<131072x128xf32, #tpu.memory_space<hbm>> -> memref<128x128xf32, #tpu.memory_space<hbm>>
        %dma_wait3A_192 = tpu.memref_slice %arg12[%dma_wait3A_189] : memref<4x!tpu.dma_semaphore, #tpu.memory_space<semaphore_mem>> -> memref<1x!tpu.dma_semaphore, #tpu.memory_space<semaphore_mem>>
        %dma_wait3A_193 = tpu.memref_squeeze %dma_wait3A_192 : memref<1x!tpu.dma_semaphore, #tpu.memory_space<semaphore_mem>> -> memref<!tpu.dma_semaphore, #tpu.memory_space<semaphore_mem>>
        %dma_wait3A_194 = arith.constant 0 : i32
        %dma_wait3A_195 = tpu.memref_slice %arg4[%add3A_188, %dma_wait3A_194] : memref<131072x128xf32, #tpu.memory_space<hbm>> -> memref<128x128xf32, #tpu.memory_space<hbm>>
        tpu.wait_dma2 semaphore(%dma_wait3A_193 : memref<!tpu.dma_semaphore, #tpu.memory_space<semaphore_mem>>) src(%arg9 : memref<128x128xf32, #tpu.memory_space<vmem>>) dst(%dma_wait3A_195 : memref<128x128xf32, #tpu.memory_space<hbm>>)
        %add3A_196 = arith.constant 4 : i32
        %add3A_197 = arith.addi %sub3A_91, %add3A_196 : i32
        %lt3A = arith.constant 32 : i32
        %lt3A_198 = arith.cmpi slt, %add3A_197, %lt3A : i32
        %convert_element_type3A_199 = arith.extui %lt3A_198 : i1 to i32
        %cond3A_200 = arith.constant 0 : i32
        %cond3A_201 = arith.cmpi ne, %convert_element_type3A_199, %cond3A_200 : i32
        scf.if %cond3A_201 {
          %add3A_202 = arith.constant 4 : i32
          %add3A_203 = arith.addi %sub3A_91, %add3A_202 : i32
          %dma_start3A_204 = arith.constant 3 : i32
          %dma_start3A_205 = arith.constant 0 : i32
          %dma_start3A_206 = tpu.memref_slice %arg5[%add3A_203, %dma_start3A_205] : memref<32x128xi32, #tpu.memory_space<vmem>> -> memref<1x128xi32, #tpu.memory_space<vmem>>
          %dma_start3A_207 = tpu.memref_squeeze %dma_start3A_206 : memref<1x128xi32, #tpu.memory_space<vmem>> -> memref<128xi32, #tpu.memory_space<vmem>>
          %dma_start3A_208 = arith.constant 0 : i32
          %dma_start3A_209 = arith.constant 0 : i32
          %dma_start3A_210 = tpu.memref_slice %arg10[%dma_start3A_208, %dma_start3A_209] : memref<101x128xf32, #tpu.memory_space<vmem_shared>> -> memref<101x128xf32, #tpu.memory_space<vmem_shared>>
          %dma_start3A_211 = tpu.memref_slice %arg11[%dma_start3A_204] : memref<4x!tpu.dma_semaphore, #tpu.memory_space<semaphore_mem>> -> memref<1x!tpu.dma_semaphore, #tpu.memory_space<semaphore_mem>>
          %dma_start3A_212 = tpu.memref_squeeze %dma_start3A_211 : memref<1x!tpu.dma_semaphore, #tpu.memory_space<semaphore_mem>> -> memref<!tpu.dma_semaphore, #tpu.memory_space<semaphore_mem>>
          tpu.enqueue_indirect_dma source(%dma_start3A_210 : memref<101x128xf32, #tpu.memory_space<vmem_shared>>) target(%arg9 : memref<128x128xf32, #tpu.memory_space<vmem>>) offsets(%dma_start3A_207 : memref<128xi32, #tpu.memory_space<vmem>>) semaphore(%dma_start3A_212 : memref<!tpu.dma_semaphore, #tpu.memory_space<semaphore_mem>>)
        } else {
        }
      } else {
      }
      %mul3A_96 = arith.constant 4 : i32
      %mul3A_97 = arith.muli %add3A_67, %mul3A_96 : i32
      %add3A_98 = arith.constant 1 : i32
      %add3A_99 = arith.addi %mul3A_97, %add3A_98 : i32
      %dma_wait3A_100 = arith.constant 1 : i32
      %dma_wait3A_101 = arith.constant 0 : i32
      %dma_wait3A_102 = tpu.memref_slice %arg5[%add3A_99, %dma_wait3A_101] : memref<32x128xi32, #tpu.memory_space<vmem>> -> memref<1x128xi32, #tpu.memory_space<vmem>>
      %dma_wait3A_103 = tpu.memref_squeeze %dma_wait3A_102 : memref<1x128xi32, #tpu.memory_space<vmem>> -> memref<128xi32, #tpu.memory_space<vmem>>
      %dma_wait3A_104 = arith.constant 0 : i32
      %dma_wait3A_105 = arith.constant 0 : i32
      %dma_wait3A_106 = tpu.memref_slice %arg10[%dma_wait3A_104, %dma_wait3A_105] : memref<101x128xf32, #tpu.memory_space<vmem_shared>> -> memref<101x128xf32, #tpu.memory_space<vmem_shared>>
      %dma_wait3A_107 = tpu.memref_slice %arg11[%dma_wait3A_100] : memref<4x!tpu.dma_semaphore, #tpu.memory_space<semaphore_mem>> -> memref<1x!tpu.dma_semaphore, #tpu.memory_space<semaphore_mem>>
      %dma_wait3A_108 = tpu.memref_squeeze %dma_wait3A_107 : memref<1x!tpu.dma_semaphore, #tpu.memory_space<semaphore_mem>> -> memref<!tpu.dma_semaphore, #tpu.memory_space<semaphore_mem>>
      tpu.wait_indirect_dma semaphore(%dma_wait3A_108 : memref<!tpu.dma_semaphore, #tpu.memory_space<semaphore_mem>>) src(%dma_wait3A_106 : memref<101x128xf32, #tpu.memory_space<vmem_shared>>) dst(%arg7 : memref<128x128xf32, #tpu.memory_space<vmem>>)
      %mul3A_109 = arith.constant 128 : i32
      %mul3A_110 = arith.muli %add3A_99, %mul3A_109 : i32
      %add3A_111 = arith.addi %mul3A_11, %mul3A_110 : i32
      %dma_start3A_112 = arith.constant 1 : i32
      %dma_start3A_113 = arith.constant 0 : i32
      %dma_start3A_114 = tpu.memref_slice %arg4[%add3A_111, %dma_start3A_113] : memref<131072x128xf32, #tpu.memory_space<hbm>> -> memref<128x128xf32, #tpu.memory_space<hbm>>
      %dma_start3A_115 = tpu.memref_slice %arg12[%dma_start3A_112] : memref<4x!tpu.dma_semaphore, #tpu.memory_space<semaphore_mem>> -> memref<1x!tpu.dma_semaphore, #tpu.memory_space<semaphore_mem>>
      %dma_start3A_116 = tpu.memref_squeeze %dma_start3A_115 : memref<1x!tpu.dma_semaphore, #tpu.memory_space<semaphore_mem>> -> memref<!tpu.dma_semaphore, #tpu.memory_space<semaphore_mem>>
      %dma_start3A_117 = arith.constant 0 : i32
      %dma_start3A_118 = tpu.memref_slice %arg4[%add3A_111, %dma_start3A_117] : memref<131072x128xf32, #tpu.memory_space<hbm>> -> memref<128x128xf32, #tpu.memory_space<hbm>>
      tpu.enqueue_dma source(%arg7 : memref<128x128xf32, #tpu.memory_space<vmem>>) target(%dma_start3A_118 : memref<128x128xf32, #tpu.memory_space<hbm>>) target_semaphore(%dma_start3A_116 : memref<!tpu.dma_semaphore, #tpu.memory_space<semaphore_mem>>)
      %sub3A_119 = arith.constant 1 : i32
      %sub3A_120 = arith.subi %add3A_99, %sub3A_119 : i32
      %ge3A_121 = arith.constant 0 : i32
      %ge3A_122 = arith.cmpi sge, %sub3A_120, %ge3A_121 : i32
      %convert_element_type3A_123 = arith.extui %ge3A_122 : i1 to i32
      %cond3A_124 = arith.constant 0 : i32
      %cond3A_125 = arith.cmpi ne, %convert_element_type3A_123, %cond3A_124 : i32
      scf.if %cond3A_125 {
        %mul3A_186 = arith.constant 128 : i32
        %mul3A_187 = arith.muli %sub3A_120, %mul3A_186 : i32
        %add3A_188 = arith.addi %mul3A_11, %mul3A_187 : i32
        %dma_wait3A_189 = arith.constant 0 : i32
        %dma_wait3A_190 = arith.constant 0 : i32
        %dma_wait3A_191 = tpu.memref_slice %arg4[%add3A_188, %dma_wait3A_190] : memref<131072x128xf32, #tpu.memory_space<hbm>> -> memref<128x128xf32, #tpu.memory_space<hbm>>
        %dma_wait3A_192 = tpu.memref_slice %arg12[%dma_wait3A_189] : memref<4x!tpu.dma_semaphore, #tpu.memory_space<semaphore_mem>> -> memref<1x!tpu.dma_semaphore, #tpu.memory_space<semaphore_mem>>
        %dma_wait3A_193 = tpu.memref_squeeze %dma_wait3A_192 : memref<1x!tpu.dma_semaphore, #tpu.memory_space<semaphore_mem>> -> memref<!tpu.dma_semaphore, #tpu.memory_space<semaphore_mem>>
        %dma_wait3A_194 = arith.constant 0 : i32
        %dma_wait3A_195 = tpu.memref_slice %arg4[%add3A_188, %dma_wait3A_194] : memref<131072x128xf32, #tpu.memory_space<hbm>> -> memref<128x128xf32, #tpu.memory_space<hbm>>
        tpu.wait_dma2 semaphore(%dma_wait3A_193 : memref<!tpu.dma_semaphore, #tpu.memory_space<semaphore_mem>>) src(%arg6 : memref<128x128xf32, #tpu.memory_space<vmem>>) dst(%dma_wait3A_195 : memref<128x128xf32, #tpu.memory_space<hbm>>)
        %add3A_196 = arith.constant 4 : i32
        %add3A_197 = arith.addi %sub3A_120, %add3A_196 : i32
        %lt3A = arith.constant 32 : i32
        %lt3A_198 = arith.cmpi slt, %add3A_197, %lt3A : i32
        %convert_element_type3A_199 = arith.extui %lt3A_198 : i1 to i32
        %cond3A_200 = arith.constant 0 : i32
        %cond3A_201 = arith.cmpi ne, %convert_element_type3A_199, %cond3A_200 : i32
        scf.if %cond3A_201 {
          %add3A_202 = arith.constant 4 : i32
          %add3A_203 = arith.addi %sub3A_120, %add3A_202 : i32
          %dma_start3A_204 = arith.constant 0 : i32
          %dma_start3A_205 = arith.constant 0 : i32
          %dma_start3A_206 = tpu.memref_slice %arg5[%add3A_203, %dma_start3A_205] : memref<32x128xi32, #tpu.memory_space<vmem>> -> memref<1x128xi32, #tpu.memory_space<vmem>>
          %dma_start3A_207 = tpu.memref_squeeze %dma_start3A_206 : memref<1x128xi32, #tpu.memory_space<vmem>> -> memref<128xi32, #tpu.memory_space<vmem>>
          %dma_start3A_208 = arith.constant 0 : i32
          %dma_start3A_209 = arith.constant 0 : i32
          %dma_start3A_210 = tpu.memref_slice %arg10[%dma_start3A_208, %dma_start3A_209] : memref<101x128xf32, #tpu.memory_space<vmem_shared>> -> memref<101x128xf32, #tpu.memory_space<vmem_shared>>
          %dma_start3A_211 = tpu.memref_slice %arg11[%dma_start3A_204] : memref<4x!tpu.dma_semaphore, #tpu.memory_space<semaphore_mem>> -> memref<1x!tpu.dma_semaphore, #tpu.memory_space<semaphore_mem>>
          %dma_start3A_212 = tpu.memref_squeeze %dma_start3A_211 : memref<1x!tpu.dma_semaphore, #tpu.memory_space<semaphore_mem>> -> memref<!tpu.dma_semaphore, #tpu.memory_space<semaphore_mem>>
          tpu.enqueue_indirect_dma source(%dma_start3A_210 : memref<101x128xf32, #tpu.memory_space<vmem_shared>>) target(%arg6 : memref<128x128xf32, #tpu.memory_space<vmem>>) offsets(%dma_start3A_207 : memref<128xi32, #tpu.memory_space<vmem>>) semaphore(%dma_start3A_212 : memref<!tpu.dma_semaphore, #tpu.memory_space<semaphore_mem>>)
        } else {
        }
      } else {
      }
      %mul3A_126 = arith.constant 4 : i32
      %mul3A_127 = arith.muli %add3A_67, %mul3A_126 : i32
      %add3A_128 = arith.constant 2 : i32
      %add3A_129 = arith.addi %mul3A_127, %add3A_128 : i32
      %dma_wait3A_130 = arith.constant 2 : i32
      %dma_wait3A_131 = arith.constant 0 : i32
      %dma_wait3A_132 = tpu.memref_slice %arg5[%add3A_129, %dma_wait3A_131] : memref<32x128xi32, #tpu.memory_space<vmem>> -> memref<1x128xi32, #tpu.memory_space<vmem>>
      %dma_wait3A_133 = tpu.memref_squeeze %dma_wait3A_132 : memref<1x128xi32, #tpu.memory_space<vmem>> -> memref<128xi32, #tpu.memory_space<vmem>>
      %dma_wait3A_134 = arith.constant 0 : i32
      %dma_wait3A_135 = arith.constant 0 : i32
      %dma_wait3A_136 = tpu.memref_slice %arg10[%dma_wait3A_134, %dma_wait3A_135] : memref<101x128xf32, #tpu.memory_space<vmem_shared>> -> memref<101x128xf32, #tpu.memory_space<vmem_shared>>
      %dma_wait3A_137 = tpu.memref_slice %arg11[%dma_wait3A_130] : memref<4x!tpu.dma_semaphore, #tpu.memory_space<semaphore_mem>> -> memref<1x!tpu.dma_semaphore, #tpu.memory_space<semaphore_mem>>
      %dma_wait3A_138 = tpu.memref_squeeze %dma_wait3A_137 : memref<1x!tpu.dma_semaphore, #tpu.memory_space<semaphore_mem>> -> memref<!tpu.dma_semaphore, #tpu.memory_space<semaphore_mem>>
      tpu.wait_indirect_dma semaphore(%dma_wait3A_138 : memref<!tpu.dma_semaphore, #tpu.memory_space<semaphore_mem>>) src(%dma_wait3A_136 : memref<101x128xf32, #tpu.memory_space<vmem_shared>>) dst(%arg8 : memref<128x128xf32, #tpu.memory_space<vmem>>)
      %mul3A_139 = arith.constant 128 : i32
      %mul3A_140 = arith.muli %add3A_129, %mul3A_139 : i32
      %add3A_141 = arith.addi %mul3A_11, %mul3A_140 : i32
      %dma_start3A_142 = arith.constant 2 : i32
      %dma_start3A_143 = arith.constant 0 : i32
      %dma_start3A_144 = tpu.memref_slice %arg4[%add3A_141, %dma_start3A_143] : memref<131072x128xf32, #tpu.memory_space<hbm>> -> memref<128x128xf32, #tpu.memory_space<hbm>>
      %dma_start3A_145 = tpu.memref_slice %arg12[%dma_start3A_142] : memref<4x!tpu.dma_semaphore, #tpu.memory_space<semaphore_mem>> -> memref<1x!tpu.dma_semaphore, #tpu.memory_space<semaphore_mem>>
      %dma_start3A_146 = tpu.memref_squeeze %dma_start3A_145 : memref<1x!tpu.dma_semaphore, #tpu.memory_space<semaphore_mem>> -> memref<!tpu.dma_semaphore, #tpu.memory_space<semaphore_mem>>
      %dma_start3A_147 = arith.constant 0 : i32
      %dma_start3A_148 = tpu.memref_slice %arg4[%add3A_141, %dma_start3A_147] : memref<131072x128xf32, #tpu.memory_space<hbm>> -> memref<128x128xf32, #tpu.memory_space<hbm>>
      tpu.enqueue_dma source(%arg8 : memref<128x128xf32, #tpu.memory_space<vmem>>) target(%dma_start3A_148 : memref<128x128xf32, #tpu.memory_space<hbm>>) target_semaphore(%dma_start3A_146 : memref<!tpu.dma_semaphore, #tpu.memory_space<semaphore_mem>>)
      %sub3A_149 = arith.constant 1 : i32
      %sub3A_150 = arith.subi %add3A_129, %sub3A_149 : i32
      %ge3A_151 = arith.constant 0 : i32
      %ge3A_152 = arith.cmpi sge, %sub3A_150, %ge3A_151 : i32
      %convert_element_type3A_153 = arith.extui %ge3A_152 : i1 to i32
      %cond3A_154 = arith.constant 0 : i32
      %cond3A_155 = arith.cmpi ne, %convert_element_type3A_153, %cond3A_154 : i32
      scf.if %cond3A_155 {
        %mul3A_186 = arith.constant 128 : i32
        %mul3A_187 = arith.muli %sub3A_150, %mul3A_186 : i32
        %add3A_188 = arith.addi %mul3A_11, %mul3A_187 : i32
        %dma_wait3A_189 = arith.constant 1 : i32
        %dma_wait3A_190 = arith.constant 0 : i32
        %dma_wait3A_191 = tpu.memref_slice %arg4[%add3A_188, %dma_wait3A_190] : memref<131072x128xf32, #tpu.memory_space<hbm>> -> memref<128x128xf32, #tpu.memory_space<hbm>>
        %dma_wait3A_192 = tpu.memref_slice %arg12[%dma_wait3A_189] : memref<4x!tpu.dma_semaphore, #tpu.memory_space<semaphore_mem>> -> memref<1x!tpu.dma_semaphore, #tpu.memory_space<semaphore_mem>>
        %dma_wait3A_193 = tpu.memref_squeeze %dma_wait3A_192 : memref<1x!tpu.dma_semaphore, #tpu.memory_space<semaphore_mem>> -> memref<!tpu.dma_semaphore, #tpu.memory_space<semaphore_mem>>
        %dma_wait3A_194 = arith.constant 0 : i32
        %dma_wait3A_195 = tpu.memref_slice %arg4[%add3A_188, %dma_wait3A_194] : memref<131072x128xf32, #tpu.memory_space<hbm>> -> memref<128x128xf32, #tpu.memory_space<hbm>>
        tpu.wait_dma2 semaphore(%dma_wait3A_193 : memref<!tpu.dma_semaphore, #tpu.memory_space<semaphore_mem>>) src(%arg7 : memref<128x128xf32, #tpu.memory_space<vmem>>) dst(%dma_wait3A_195 : memref<128x128xf32, #tpu.memory_space<hbm>>)
        %add3A_196 = arith.constant 4 : i32
        %add3A_197 = arith.addi %sub3A_150, %add3A_196 : i32
        %lt3A = arith.constant 32 : i32
        %lt3A_198 = arith.cmpi slt, %add3A_197, %lt3A : i32
        %convert_element_type3A_199 = arith.extui %lt3A_198 : i1 to i32
        %cond3A_200 = arith.constant 0 : i32
        %cond3A_201 = arith.cmpi ne, %convert_element_type3A_199, %cond3A_200 : i32
        scf.if %cond3A_201 {
          %add3A_202 = arith.constant 4 : i32
          %add3A_203 = arith.addi %sub3A_150, %add3A_202 : i32
          %dma_start3A_204 = arith.constant 1 : i32
          %dma_start3A_205 = arith.constant 0 : i32
          %dma_start3A_206 = tpu.memref_slice %arg5[%add3A_203, %dma_start3A_205] : memref<32x128xi32, #tpu.memory_space<vmem>> -> memref<1x128xi32, #tpu.memory_space<vmem>>
          %dma_start3A_207 = tpu.memref_squeeze %dma_start3A_206 : memref<1x128xi32, #tpu.memory_space<vmem>> -> memref<128xi32, #tpu.memory_space<vmem>>
          %dma_start3A_208 = arith.constant 0 : i32
          %dma_start3A_209 = arith.constant 0 : i32
          %dma_start3A_210 = tpu.memref_slice %arg10[%dma_start3A_208, %dma_start3A_209] : memref<101x128xf32, #tpu.memory_space<vmem_shared>> -> memref<101x128xf32, #tpu.memory_space<vmem_shared>>
          %dma_start3A_211 = tpu.memref_slice %arg11[%dma_start3A_204] : memref<4x!tpu.dma_semaphore, #tpu.memory_space<semaphore_mem>> -> memref<1x!tpu.dma_semaphore, #tpu.memory_space<semaphore_mem>>
          %dma_start3A_212 = tpu.memref_squeeze %dma_start3A_211 : memref<1x!tpu.dma_semaphore, #tpu.memory_space<semaphore_mem>> -> memref<!tpu.dma_semaphore, #tpu.memory_space<semaphore_mem>>
          tpu.enqueue_indirect_dma source(%dma_start3A_210 : memref<101x128xf32, #tpu.memory_space<vmem_shared>>) target(%arg7 : memref<128x128xf32, #tpu.memory_space<vmem>>) offsets(%dma_start3A_207 : memref<128xi32, #tpu.memory_space<vmem>>) semaphore(%dma_start3A_212 : memref<!tpu.dma_semaphore, #tpu.memory_space<semaphore_mem>>)
        } else {
        }
      } else {
      }
      %mul3A_156 = arith.constant 4 : i32
      %mul3A_157 = arith.muli %add3A_67, %mul3A_156 : i32
      %add3A_158 = arith.constant 3 : i32
      %add3A_159 = arith.addi %mul3A_157, %add3A_158 : i32
      %dma_wait3A_160 = arith.constant 3 : i32
      %dma_wait3A_161 = arith.constant 0 : i32
      %dma_wait3A_162 = tpu.memref_slice %arg5[%add3A_159, %dma_wait3A_161] : memref<32x128xi32, #tpu.memory_space<vmem>> -> memref<1x128xi32, #tpu.memory_space<vmem>>
      %dma_wait3A_163 = tpu.memref_squeeze %dma_wait3A_162 : memref<1x128xi32, #tpu.memory_space<vmem>> -> memref<128xi32, #tpu.memory_space<vmem>>
      %dma_wait3A_164 = arith.constant 0 : i32
      %dma_wait3A_165 = arith.constant 0 : i32
      %dma_wait3A_166 = tpu.memref_slice %arg10[%dma_wait3A_164, %dma_wait3A_165] : memref<101x128xf32, #tpu.memory_space<vmem_shared>> -> memref<101x128xf32, #tpu.memory_space<vmem_shared>>
      %dma_wait3A_167 = tpu.memref_slice %arg11[%dma_wait3A_160] : memref<4x!tpu.dma_semaphore, #tpu.memory_space<semaphore_mem>> -> memref<1x!tpu.dma_semaphore, #tpu.memory_space<semaphore_mem>>
      %dma_wait3A_168 = tpu.memref_squeeze %dma_wait3A_167 : memref<1x!tpu.dma_semaphore, #tpu.memory_space<semaphore_mem>> -> memref<!tpu.dma_semaphore, #tpu.memory_space<semaphore_mem>>
      tpu.wait_indirect_dma semaphore(%dma_wait3A_168 : memref<!tpu.dma_semaphore, #tpu.memory_space<semaphore_mem>>) src(%dma_wait3A_166 : memref<101x128xf32, #tpu.memory_space<vmem_shared>>) dst(%arg9 : memref<128x128xf32, #tpu.memory_space<vmem>>)
      %mul3A_169 = arith.constant 128 : i32
      %mul3A_170 = arith.muli %add3A_159, %mul3A_169 : i32
      %add3A_171 = arith.addi %mul3A_11, %mul3A_170 : i32
      %dma_start3A_172 = arith.constant 3 : i32
      %dma_start3A_173 = arith.constant 0 : i32
      %dma_start3A_174 = tpu.memref_slice %arg4[%add3A_171, %dma_start3A_173] : memref<131072x128xf32, #tpu.memory_space<hbm>> -> memref<128x128xf32, #tpu.memory_space<hbm>>
      %dma_start3A_175 = tpu.memref_slice %arg12[%dma_start3A_172] : memref<4x!tpu.dma_semaphore, #tpu.memory_space<semaphore_mem>> -> memref<1x!tpu.dma_semaphore, #tpu.memory_space<semaphore_mem>>
      %dma_start3A_176 = tpu.memref_squeeze %dma_start3A_175 : memref<1x!tpu.dma_semaphore, #tpu.memory_space<semaphore_mem>> -> memref<!tpu.dma_semaphore, #tpu.memory_space<semaphore_mem>>
      %dma_start3A_177 = arith.constant 0 : i32
      %dma_start3A_178 = tpu.memref_slice %arg4[%add3A_171, %dma_start3A_177] : memref<131072x128xf32, #tpu.memory_space<hbm>> -> memref<128x128xf32, #tpu.memory_space<hbm>>
      tpu.enqueue_dma source(%arg9 : memref<128x128xf32, #tpu.memory_space<vmem>>) target(%dma_start3A_178 : memref<128x128xf32, #tpu.memory_space<hbm>>) target_semaphore(%dma_start3A_176 : memref<!tpu.dma_semaphore, #tpu.memory_space<semaphore_mem>>)
      %sub3A_179 = arith.constant 1 : i32
      %sub3A_180 = arith.subi %add3A_159, %sub3A_179 : i32
      %ge3A_181 = arith.constant 0 : i32
      %ge3A_182 = arith.cmpi sge, %sub3A_180, %ge3A_181 : i32
      %convert_element_type3A_183 = arith.extui %ge3A_182 : i1 to i32
      %cond3A_184 = arith.constant 0 : i32
      %cond3A_185 = arith.cmpi ne, %convert_element_type3A_183, %cond3A_184 : i32
      scf.if %cond3A_185 {
        %mul3A_186 = arith.constant 128 : i32
        %mul3A_187 = arith.muli %sub3A_180, %mul3A_186 : i32
        %add3A_188 = arith.addi %mul3A_11, %mul3A_187 : i32
        %dma_wait3A_189 = arith.constant 2 : i32
        %dma_wait3A_190 = arith.constant 0 : i32
        %dma_wait3A_191 = tpu.memref_slice %arg4[%add3A_188, %dma_wait3A_190] : memref<131072x128xf32, #tpu.memory_space<hbm>> -> memref<128x128xf32, #tpu.memory_space<hbm>>
        %dma_wait3A_192 = tpu.memref_slice %arg12[%dma_wait3A_189] : memref<4x!tpu.dma_semaphore, #tpu.memory_space<semaphore_mem>> -> memref<1x!tpu.dma_semaphore, #tpu.memory_space<semaphore_mem>>
        %dma_wait3A_193 = tpu.memref_squeeze %dma_wait3A_192 : memref<1x!tpu.dma_semaphore, #tpu.memory_space<semaphore_mem>> -> memref<!tpu.dma_semaphore, #tpu.memory_space<semaphore_mem>>
        %dma_wait3A_194 = arith.constant 0 : i32
        %dma_wait3A_195 = tpu.memref_slice %arg4[%add3A_188, %dma_wait3A_194] : memref<131072x128xf32, #tpu.memory_space<hbm>> -> memref<128x128xf32, #tpu.memory_space<hbm>>
        tpu.wait_dma2 semaphore(%dma_wait3A_193 : memref<!tpu.dma_semaphore, #tpu.memory_space<semaphore_mem>>) src(%arg8 : memref<128x128xf32, #tpu.memory_space<vmem>>) dst(%dma_wait3A_195 : memref<128x128xf32, #tpu.memory_space<hbm>>)
        %add3A_196 = arith.constant 4 : i32
        %add3A_197 = arith.addi %sub3A_180, %add3A_196 : i32
        %lt3A = arith.constant 32 : i32
        %lt3A_198 = arith.cmpi slt, %add3A_197, %lt3A : i32
        %convert_element_type3A_199 = arith.extui %lt3A_198 : i1 to i32
        %cond3A_200 = arith.constant 0 : i32
        %cond3A_201 = arith.cmpi ne, %convert_element_type3A_199, %cond3A_200 : i32
        scf.if %cond3A_201 {
          %add3A_202 = arith.constant 4 : i32
          %add3A_203 = arith.addi %sub3A_180, %add3A_202 : i32
          %dma_start3A_204 = arith.constant 2 : i32
          %dma_start3A_205 = arith.constant 0 : i32
          %dma_start3A_206 = tpu.memref_slice %arg5[%add3A_203, %dma_start3A_205] : memref<32x128xi32, #tpu.memory_space<vmem>> -> memref<1x128xi32, #tpu.memory_space<vmem>>
          %dma_start3A_207 = tpu.memref_squeeze %dma_start3A_206 : memref<1x128xi32, #tpu.memory_space<vmem>> -> memref<128xi32, #tpu.memory_space<vmem>>
          %dma_start3A_208 = arith.constant 0 : i32
          %dma_start3A_209 = arith.constant 0 : i32
          %dma_start3A_210 = tpu.memref_slice %arg10[%dma_start3A_208, %dma_start3A_209] : memref<101x128xf32, #tpu.memory_space<vmem_shared>> -> memref<101x128xf32, #tpu.memory_space<vmem_shared>>
          %dma_start3A_211 = tpu.memref_slice %arg11[%dma_start3A_204] : memref<4x!tpu.dma_semaphore, #tpu.memory_space<semaphore_mem>> -> memref<1x!tpu.dma_semaphore, #tpu.memory_space<semaphore_mem>>
          %dma_start3A_212 = tpu.memref_squeeze %dma_start3A_211 : memref<1x!tpu.dma_semaphore, #tpu.memory_space<semaphore_mem>> -> memref<!tpu.dma_semaphore, #tpu.memory_space<semaphore_mem>>
          tpu.enqueue_indirect_dma source(%dma_start3A_210 : memref<101x128xf32, #tpu.memory_space<vmem_shared>>) target(%arg8 : memref<128x128xf32, #tpu.memory_space<vmem>>) offsets(%dma_start3A_207 : memref<128xi32, #tpu.memory_space<vmem>>) semaphore(%dma_start3A_212 : memref<!tpu.dma_semaphore, #tpu.memory_space<semaphore_mem>>)
        } else {
        }
      } else {
      }
    }
    %scan3A_54 = arith.constant 8 : i32
    %add3A_55 = arith.constant 3968 : i32
    %add3A_56 = arith.addi %mul3A_11, %add3A_55 : i32
    %dma_wait3A = arith.constant 3 : i32
    %dma_wait3A_57 = arith.constant 0 : i32
    %dma_wait3A_58 = tpu.memref_slice %arg4[%add3A_56, %dma_wait3A_57] : memref<131072x128xf32, #tpu.memory_space<hbm>> -> memref<128x128xf32, #tpu.memory_space<hbm>>
    %dma_wait3A_59 = tpu.memref_slice %arg12[%dma_wait3A] : memref<4x!tpu.dma_semaphore, #tpu.memory_space<semaphore_mem>> -> memref<1x!tpu.dma_semaphore, #tpu.memory_space<semaphore_mem>>
    %dma_wait3A_60 = tpu.memref_squeeze %dma_wait3A_59 : memref<1x!tpu.dma_semaphore, #tpu.memory_space<semaphore_mem>> -> memref<!tpu.dma_semaphore, #tpu.memory_space<semaphore_mem>>
    %dma_wait3A_61 = arith.constant 0 : i32
    %dma_wait3A_62 = tpu.memref_slice %arg4[%add3A_56, %dma_wait3A_61] : memref<131072x128xf32, #tpu.memory_space<hbm>> -> memref<128x128xf32, #tpu.memory_space<hbm>>
    tpu.wait_dma2 semaphore(%dma_wait3A_60 : memref<!tpu.dma_semaphore, #tpu.memory_space<semaphore_mem>>) src(%arg9 : memref<128x128xf32, #tpu.memory_space<vmem>>) dst(%dma_wait3A_62 : memref<128x128xf32, #tpu.memory_space<hbm>>)
    return
  }
}

</mosaic_0001>

<sc_bundles>
// kernel: kernel.3.cloned.1.call-start
scs
__scs_entry_jumppad:
0x0: {  	(pc) =	sbr.rel $0x88, $3  }
0x1: {  	(tag) =	ssettag $0x0;
	lr =	simm.s32 $0x1  }
0x2: {  	[smem:$0x3F9F] =	sst lr;
	_ =	strace $0xD0000000  }
0x3: {  	_ = 	snop  }
0x4: {  	_ = 	snop  }
0x5: {  	_ = 	snop  }
0x6: {  	_ = 	snop  }
0x7: {  	_ = 	snop  }
__scs_overlays_trampoline_lowered:
0x8: {  	[smem:$0x3FAE] =	sst s0  }
0x9: {  	[smem:$0x3FAF] =	sst s1  }
0xa: {  	[smem:$0x3FB0] =	sst s2  }
0xb: {  	[smem:$0x3FB1] =	sst s3  }
0xc: {  	[smem:$0x3FB2] =	sst s4  }
0xd: {  	[smem:$0x3FB3] =	sst s5  }
0xe: {  	[smem:$0x3FB4] =	sst s6  }
0xf: {  	[smem:$0x3FB5] =	sst s7  }
0x10: {  	[smem:$0x3FB6] =	sst s8  }
0x11: {  	[smem:$0x3FB7] =	sst s9;
	s0 =	simm.s32 @!p0 $0x0  }
0x12: {  	s1 =	sld [smem:$0x3F9D];
	s0 =	simm.s32 @p0 $0x1  }
0x13: {  	[smem:$0x3FB8] =	sst s0;
	s0 =	simm.s32 @!p1 $0x0  }
0x14: {  	s2 =	sld [smem:$0x3F9C];
	s0 =	simm.s32 @p1 $0x1  }
0x15: {  	[smem:$0x3FB9] =	sst s0;
	s0 =	simm.s32 @!p2 $0x0  }
0x16: {  	s3 =	sld [smem:$0x3FDB];
	s0 =	simm.s32 @p2 $0x1  }
0x17: {  	s4 =	simm.s32 $0x1BF5;
	[smem:$0x3FBB] =	sst s0  }
0x18: {  	s0 =	sld [smem:$0x3F9E];
	_ =	swait.ge [sflag:s4], $0x0  }
0x19: {  	s7 =	sld [smem:$0x3F9F]  }
0x1a: {  	s8 =	sadd.s32 $0xFFFFE003, lr  }
0x1b: {  	s9 =	sadd.s32 $0xFFFFFEF7, lr;
	s5 =	simm.s32 $0xFFFFFFFF;
	p2 =	slt.u32 s8, $0xFFFFF086  }
0x1c: {  	p1 =	slt.u32 s9, $0xF7A;
	s5 =	simm.s32 @!p2 $0x0  }
0x1d: {  	s5 =	simm.s32 @p1 $0x1;
	p0 =	seq.s32 s7, s2  }
0x1e: {  	s7 =	smul.u32 @!p0 $0xF7A, s2;
	p2 =	seq.s32 @!p0 s5, $0x0  }
0x1f: {  	s9 =	smul.u32 $0xF7A, s1;
	s8 =	simm.s32 @!p0 $0x1BF5;
	p2 =	por !p2, p0  }
0x20: {  	[sflag:s8] =	ssyncset.s32 @!p0 $0xFFFFF086;
	s6 =	sadd.s32 @!p0 s3, s7;
	s7 =	simm.s32 @!p0 $0x108  }
0x21: {  	s3 =	sadd.s32 s3, s9;
	s6 =	sadd.s32 @!p0 $0x88, s6;
	s7 =	simm.s32 @p2 $0x1082  }
0x22: {  	[simem:s7], [sflag:s8] =	dma.local @!p0 [hbm:s6], $0xF7A  }
0x23: {  	s9 =	sor.u32 $0xD0000000, s2;
	s6 =	simm.s32 $0x108;
	_ =	swait.ge @!p0 [sflag:s8], $0x0  }
0x24: {  	s3 =	sadd.s32 $0x88, s3;
	s6 =	simm.s32 @!p1 $0x1082;
	[sflag:s4] =	ssyncset.s32 $0xFFFFF086  }
0x25: {  	[simem:s6], [sflag:s4] =	dma.local [hbm:s3], $0xF7A  }
0x26: {  	[smem:$0x3F9F] =	sst s1;
	(tag) =	ssettag s2;
	_ =	strace s9  }
0x27: {  	s1 =	sld [smem:$0x3FAF]  }
0x28: {  	s2 =	sld [smem:$0x3FB0]  }
0x29: {  	s4 =	sld [smem:$0x3FB2]  }
0x2a: {  	p0 =	seq.s32 s5, $0x0;
	s5 =	sld [smem:$0x3FB3]  }
0x2b: {  	s6 =	sld [smem:$0x3FB4]  }
0x2c: {  	s7 =	sld [smem:$0x3FB5]  }
0x2d: {  	s3 =	simm.s32 $0x108;
	s8 =	sld [smem:$0x3FB6]  }
0x2e: {  	s3 =	simm.s32 @!p0 $0x1082;
	s9 =	sld [smem:$0x3FB7]  }
0x2f: {  	lr =	sadd.s32 s0, s3;
	s0 =	sld [smem:$0x3FAE]  }
0x30: {  	s3 =	sld [smem:$0x3FB1]  }
0x31: {  	[smem:$0x3FBA] =	sst s10  }
0x32: {  	s10 =	sld [smem:$0x3FB8];
	_ =	sdelay $0x3  }
0x33: {  	p0 =	seq.s32 s10, $0x1;
	s10 =	sld [smem:$0x3FBA];
	_ =	sdelay $0x3  }
0x34: {  	[smem:$0x3FBA] =	sst s10  }
0x35: {  	s10 =	sld [smem:$0x3FB9];
	_ =	sdelay $0x3  }
0x36: {  	p1 =	seq.s32 s10, $0x1;
	s10 =	sld [smem:$0x3FBA];
	_ =	sdelay $0x3  }
0x37: {  	[smem:$0x3FBA] =	sst s10  }
0x38: {  	s10 =	sld [smem:$0x3FBB]  }
0x39: {  	_ = 	snop;
	(pc) =	sbr.ind lr, $3  }
0x3a: {  	_ = 	snop  }
0x3b: {  	_ = 	snop  }
0x3c: {  	p2 =	seq.s32 s10, $0x1;
	s10 =	sld [smem:$0x3FBA]  }
0x3d: {  	_ =	shalt  }
0x3e: {  	_ =	shalt  }
0x3f: {  	_ =	shalt  }
0x40: {  	_ =	shalt  }
0x41: {  	_ =	shalt  }
0x42: {  	_ =	shalt  }
0x43: {  	_ =	shalt  }
0x44: {  	_ =	shalt  }
0x45: {  	_ =	shalt  }
0x46: {  	_ =	shalt  }
0x47: {  	_ =	shalt  }
0x48: {  	_ =	shalt  }
0x49: {  	_ =	shalt  }
0x4a: {  	_ =	shalt  }
0x4b: {  	_ =	shalt  }
0x4c: {  	_ =	shalt  }
0x4d: {  	_ =	shalt  }
0x4e: {  	_ =	shalt  }
0x4f: {  	_ =	shalt  }
0x50: {  	_ =	shalt  }
0x51: {  	_ =	shalt  }
0x52: {  	_ =	shalt  }
0x53: {  	_ =	shalt  }
0x54: {  	_ =	shalt  }
0x55: {  	_ =	shalt  }
0x56: {  	_ =	shalt  }
0x57: {  	_ =	shalt  }
0x58: {  	_ =	shalt  }
0x59: {  	_ =	shalt  }
0x5a: {  	_ =	shalt  }
0x5b: {  	_ =	shalt  }
0x5c: {  	_ =	shalt  }
0x5d: {  	_ =	shalt  }
0x5e: {  	_ =	shalt  }
0x5f: {  	_ =	shalt  }
0x60: {  	_ =	shalt  }
0x61: {  	_ =	shalt  }
0x62: {  	_ =	shalt  }
0x63: {  	_ =	shalt  }
0x64: {  	_ =	shalt  }
0x65: {  	_ =	shalt  }
0x66: {  	_ =	shalt  }
0x67: {  	_ =	shalt  }
0x68: {  	_ =	shalt  }
0x69: {  	_ =	shalt  }
0x6a: {  	_ =	shalt  }
0x6b: {  	_ =	shalt  }
0x6c: {  	_ =	shalt  }
0x6d: {  	_ =	shalt  }
0x6e: {  	_ =	shalt  }
0x6f: {  	_ =	shalt  }
0x70: {  	_ =	shalt  }
0x71: {  	_ =	shalt  }
0x72: {  	_ =	shalt  }
0x73: {  	_ =	shalt  }
0x74: {  	_ =	shalt  }
0x75: {  	_ =	shalt  }
0x76: {  	_ =	shalt  }
0x77: {  	_ =	shalt  }
0x78: {  	_ =	shalt  }
0x79: {  	_ =	shalt  }
0x7a: {  	_ =	shalt  }
0x7b: {  	_ =	shalt  }
0x7c: {  	_ =	shalt  }
0x7d: {  	_ =	shalt  }
0x7e: {  	_ =	shalt  }
0x7f: {  	_ =	shalt  }
0x80: {  	_ =	shalt  }
0x81: {  	_ =	shalt  }
0x82: {  	_ =	shalt  }
0x83: {  	_ =	shalt  }
0x84: {  	_ =	shalt  }
0x85: {  	_ =	shalt  }
0x86: {  	_ =	shalt  }
0x87: {  	_ =	shalt  }
.Lfunc_end0:
.L_simem_size_0:
called_computation_lowered:
.L_overlay_start_0:
0x88: {  	s2 =	sld [smem:$0x3FD9]  }
0x89: {  	s3 =	sld [smem:$0x3FFE];
	_ =	sdelay $0x1  }
0x8a: {  	s1 =	srdreg.scid  }
0x8b: {  	s0 =	sand.u32 $0x1, s1  }
0x8c: {  	s17 =	sshll.u32 s0, $0xA;
	s2 =	sadd.s32 s3, s2  }
0x8d: {  	s2 =	sadd.s32 s2, s17  }
0x8e: {  	[smem:$0x3FC6] =	sst s2  }
0x8f: {  	_ = 	snop  }
0x90: {  	s2 =	sld [smem:$0x3FC8]  }
0x91: {  	s18 =	sld [smem:$0x3FD0];
	(tm) =	ssettm $0x1  }
0x92: {  	s4 =	sld [smem:$0x3FFB];
	_ =	sdelay $0x3  }
0x93: {  	_ =	strace s4  }
0x94: {  	s4 =	sld [smem:$0x3FFC];
	_ =	sdelay $0x3  }
0x95: {  	_ =	strace s4  }
0x96: {  	s4 =	sld [smem:$0x3FFD];
	_ =	sdelay $0x3  }
0x97: {  	_ =	strace s4  }
0x98: {  	_ =	strace $0x8FFFFFFF  }
0x99: {  	s19 =	sld [smem:$0x3FDB];
	_ =	sdelay $0x1  }
0x9a: {  	s5 =	simm.s32 $_scs_section_size  }
0x9b: {  	s6 =	simm.s32 $_size__tile_overlayer_lowered;
	s7 =	simm.s32 $_tile_overlayer_lowered  }
0x9c: {  	s22 =	simm.s32 $0x1BFF;
	s21 =	sshll.u32 s7, $0x1;
	s4 =	sadd.s32 s5, s19  }
0x9d: {  	s8 =	simm.s32 $0x0;
	s20 =	sshll.u32 s6, $0x1;
	s6 =	sadd.s32 s21, s4  }
0x9e: {  	[timem:s8], [sflag:s22] =	dma.local [hbm:s6], s20  }
0x9f: {  	_ =	swait.ge [sflag:s22], s20  }
0xa0: {  	s5 =	ssub.s32 $0x0, s20;
	[sflag:s22] =	ssyncset.done $0x0  }
0xa1: {  	[sflag:s22] =	ssyncadd.s32 s5;
	_ =	sdelay $0x1  }
0xa2: {  	s23 =	simm.s32 $0x1B8B  }
0xa3: {  	_ =	swait.ge [sflag:s23], $0x1  }
0xa4: {  	[sflag:s23] =	ssyncset.done $0x0  }
0xa5: {  	s25 =	simm.s32 $0x1B8E;
	s24 =	sld [smem:$0x3FFE];
	[sflag:s23] =	ssyncadd.s32 $0xFFFFFFFF  }
0xa6: {  	s26 =	simm.s32 $execute0_lowered;
	[smem:$0x3FD2] =	sst s25  }
0xa7: {  	s6 =	sshll.u32 s26, $0x1;
	_ =	strace $0x80000046;
	[dreg:$0x1] =	wrdreg $0xFFFFFFFF  }
0xa8: {  	s28 =	simm.s32 $_size_execute0_lowered;
	s4 =	sadd.s32 s4, s6;
	[dreg:$0x0] =	wrdreg $0x0  }
0xa9: {  	s6 =	sshll.u32 s28, $0x1;
	[dreg:$0x2] =	wrdreg s4  }
0xaa: {  	[dreg:$0x3] =	wrdreg s6  }
0xab: {  	[dreg:$0x4] =	wrdreg $0xC0  }
0xac: {  	_ =	task [dreg:s8], $0x5FFFF  }
0xad: {  	[dreg:$0x1] =	wrdreg $0xFFFFFFFF  }
0xae: {  	[dreg:$0x0] =	wrdreg $0x60  }
0xaf: {  	[dreg:$0x2] =	wrdreg s24  }
0xb0: {  	[dreg:$0x3] =	wrdreg s2  }
0xb1: {  	[dreg:$0x4] =	wrdreg s18  }
0xb2: {  	[dreg:$0x5] =	wrdreg $0x110000  }
0xb3: {  	[dreg:$0x6] =	wrdreg $0x9  }
0xb4: {  	_ =	task.clear_ibuf [dreg:s8], $0x7FFFF;
	_ =	strace $0x90000046  }
0xb5: {  	s29 =	simm.s32 $0x9;
	_ =	strace $0x80000048  }
0xb6: {  	_ =	swait.ge [sflag:s29], $0x1  }
0xb7: {  	[sflag:s29] =	ssyncadd.s32 $0xFFFFFFFF  }
0xb8: {  	_ =	strace $0x90000048  }
0xb9: {  	_ =	sfence  }
0xba: {  	s30 =	sld [smem:$0x0];
	_ =	sdelay $0x2  }
0xbb: {  	s31 =	sshll.u32 s1, $0xD;
	s1 =	sshrl.u32 s1, $0x2  }
0xbc: {  	s3 =	sand.u32 $0x4000, s31;
	s1 =	sadd.s32 s1, s30  }
0xbd: {  	s0 =	sor.u32 s3, s0;
	s1 =	sshll.u32 s1, $0x11  }
0xbe: {  	s0 =	sor.u32 s1, s0  }
0xbf: {  	s0 =	sadd.s32 $0x8F2B, s0  }
0xc0: {  	[sflag:s0] =	ssyncadd.remote.s32 $0x1  }
0xc1: {  	_ =	sfence.sel $0xFFFF  }
0xc2: {  	[dreg:$0x0] =	wrdreg $0xFFFFFFFF;
	(pc) =	sbr.abs _section_cstart, $3  }
0xc3: {  	[dreg:$0x1] =	wrdreg $0xFFFFFFFF  }
0xc4: {  	_ =	task.clear_ibuf [dreg:s8], $0x2FFFF;
	_ =	strace $0x9FFFFFFF  }
0xc5: {  	(tm) =	ssettm $0x7FFFFFFF  }
tec
execute0_lowered:
.L_overlay_start_1:
0x0: {  	(tag) =	ssettag $0x1  }
0x1: {  	s0 =	rddreg [dreg:$0x0]  }
0x2: {  	s1 =	rddreg [dreg:$0x2]  }
0x3: {  	s2 =	rddreg [dreg:$0x3]  }
0x4: {  	s3 =	simm.s32 $0x0;
	s4 =	srdreg.scid;
	s10 =	stileid.u32  }
0x5: {  	s12 =	simm.s32 $0x80;
	s13 =	simm.s32 $0x1000;
	s14 =	simm.s32 $0x5000  }
0x6: {  	s16 =	simm.s32 $0x9000;
	s18 =	simm.s32 $0xD000;
	s19 =	simm.s32 $0x1  }
0x7: {  	s20 =	simm.s32 $0x2;
	s21 =	simm.s32 $0x5;
	s28 =	simm.s32 $0x7  }
0x8: {  	s29 =	simm.s32 $0x300;
	s30 =	simm.s32 $0x8;
	s31 =	simm.s32 $0x0  }
0x9: {  	[smem:$0x7FF] =	sst s3;
	s11 =	sand.u32 $0x1, s4;
	s23 =	sshll.u32 s10, $0x1  }
0xa: {  	s25 =	sshll.u32 s10, $0x11;
	p0 =	sne.s32 s10, $0x0;
	_ =	strace $0x80000047  }
0xb: {  	s4 =	sor.u32 s11, s23;
	s5 =	ssub.s32 $0x2, s11;
	s26 =	sshll.u32 s11, $0x10  }
0xc: {  	s11 =	sshrl.u32 @!p0 s2, $0x3;
	s23 =	simm.s32 $0x3;
	s6 =	sshll.u32 s4, $0x9  }
.Ltmp0:
0xd: {  	s7 =	sshrl.u32 s5, $0x1;
	s4 =	sshll.u32 s4, $0x10;
	(pc) =	sbr.rel .LBB2_1-.Ltmp0, $4  }
0xe: {  	s0 =	sadd.s32 s6, s0;
	s24 =	ssub.s32 s5, s7;
	s4 =	sadd.s32 s1, s4  }
0xf: {  	s5 =	sadd.s32 $0x400, s0;
	s6 =	smax.u32 s24, $0x1;
	s7 =	sadd.s32 $0x800, s4  }
0x10: {  	s8 =	sadd.s32 $0x1000, s4;
	s9 =	sadd.s32 $0x1800, s4;
	s0 =	sadd.s32 s25, s1  }
0x11: {  	s24 =	simm.s32 $0x6;
	s10 =	sadd.s32 s26, s0;
	s26 =	simm.s32 $0x4  }
.LBB2_4:
0x12: {  	s31 =	sadd.s32 $0x1, s31  }
0x13: {  	p1 =	sne.s32 s31, s6  }
.Ltmp1:
0x14: {  	_ = 	snop;
	(pc) =	sbr.rel @!p1 .LBB2_5-.Ltmp1, $4  }
0x15: {  	_ = 	snop  }
0x16: {  	_ =	swait.ge [sflag:s30], $0x4000  }
0x17: {  	[sflag:s30] =	ssyncset.done $0x0  }
0x18: {  	[sflag:s30] =	ssyncadd.s32 $0xFFFFC000  }
.LBB2_1:
0x19: {  	s0 =	simm.s32 @p0 $0x0  }
0x1a: {  	[tilespmem:s0], [sflag:$0xA] =	stream.linear.gather @p0 [hbm4b:s5+s0], $0x1000, $0x38;
	[tilespmem:$0x11328] =	vst v63  }
0x1b: {  	s0 =	simm.s32 @p0 $0xA  }
0x1c: {  	_ =	swait.ge @p0 [sflag:s0], $0x1000  }
0x1d: {  	[sflag:s0] =	ssyncset.done @p0 $0x0  }
0x1e: {  	[sflag:s0] =	ssyncadd.s32 @p0 $0xFFFFF000  }
0x1f: {  	s0 =	simm.s32 @!p0 $0x1C09;
	s1 =	rddreg [dreg:$0x1]  }
0x20: {  	[spmem:s11], [sflag:s0] =	dma.local @!p0 [hbm:s1], $0x650  }
0x21: {  	s0 =	simm.s32 @!p0 $0x0  }
0x22: {  	[tilespmem:s0], [sflag:$0xA] =	stream.linear.gather @!p0 [hbm4b:s5+s0], $0x1000, $0x38;
	[tilespmem:$0x11328] =	vst v63  }
0x23: {  	s0 =	simm.s32 @!p0 $0xA  }
0x24: {  	_ =	swait.ge @!p0 [sflag:s0], $0x1000  }
0x25: {  	[sflag:s0] =	ssyncset.done @!p0 $0x0  }
0x26: {  	[sflag:s0] =	ssyncadd.s32 @!p0 $0xFFFFF000;
	s0 =	simm.s32 @!p0 $0x9  }
0x27: {  	_ =	swait.ge @!p0 [sflag:s0], $0x650  }
0x28: {  	[sflag:s0] =	ssyncset.done @!p0 $0x0  }
0x29: {  	[sflag:s0] =	ssyncadd.s32 @!p0 $0xFFFFF9B0  }
0x2a: {  	[bflag:$0x0] =	sbarrier.arrive $0xFFFF  }
0x2b: {  	[tilespmem:s13], [sflag:$0x1] =	stream.indirect.gather [spmem:s2], $0x80, s3, s12, $0xb8;
	[tilespmem:$0x11328] =	vst v63  }
0x2c: {  	_ = 	snop  }
0x2d: {  	[tilespmem:s14], [sflag:$0x2] =	stream.indirect.gather [spmem:s2], $0x80, s12, s12, $0xb8;
	[tilespmem:$0x11328] =	vst v63  }
0x2e: {  	s15 =	simm.s32 $0x100  }
0x2f: {  	[tilespmem:s16], [sflag:$0x3] =	stream.indirect.gather [spmem:s2], $0x80, s15, s12, $0xb8;
	[tilespmem:$0x11328] =	vst v63  }
0x30: {  	s17 =	simm.s32 $0x180  }
0x31: {  	[tilespmem:s18], [sflag:$0x4] =	stream.indirect.gather [spmem:s2], $0x80, s17, s12, $0xb8;
	[tilespmem:$0x11328] =	vst v63  }
0x32: {  	_ =	swait.ge [sflag:s19], $0x4000  }
0x33: {  	[sflag:s19] =	ssyncset.done $0x0  }
0x34: {  	[sflag:s19] =	ssyncadd.s32 $0xFFFFC000  }
0x35: {  	[hbm4b:s4+s3] =	stream.linear.scatter [tilespmem:s13], [sflag:$0x5], $0x4000, $0x38;
	[tilespmem:$0x11328] =	vst v63  }
0x36: {  	_ =	swait.ge [sflag:s20], $0x4000  }
0x37: {  	[sflag:s20] =	ssyncset.done $0x0  }
0x38: {  	[sflag:s20] =	ssyncadd.s32 $0xFFFFC000  }
0x39: {  	[hbm4b:s7+s3] =	stream.linear.scatter [tilespmem:s14], [sflag:$0x6], $0x4000, $0x38;
	[tilespmem:$0x11328] =	vst v63  }
0x3a: {  	_ =	swait.ge [sflag:s21], $0x4000  }
0x3b: {  	[sflag:s21] =	ssyncset.done $0x0  }
0x3c: {  	s22 =	simm.s32 $0x200;
	[sflag:s21] =	ssyncadd.s32 $0xFFFFC000  }
0x3d: {  	[tilespmem:s13], [sflag:$0x1] =	stream.indirect.gather [spmem:s2], $0x80, s22, s12, $0xb8;
	[tilespmem:$0x11328] =	vst v63  }
0x3e: {  	_ =	swait.ge [sflag:s23], $0x4000  }
0x3f: {  	[sflag:s23] =	ssyncset.done $0x0  }
0x40: {  	[sflag:s23] =	ssyncadd.s32 $0xFFFFC000  }
0x41: {  	[hbm4b:s8+s3] =	stream.linear.scatter [tilespmem:s16], [sflag:$0x7], $0x4000, $0x38;
	[tilespmem:$0x11328] =	vst v63  }
0x42: {  	_ =	swait.ge [sflag:s24], $0x4000  }
0x43: {  	[sflag:s24] =	ssyncset.done $0x0  }
0x44: {  	s25 =	simm.s32 $0x280;
	[sflag:s24] =	ssyncadd.s32 $0xFFFFC000  }
0x45: {  	[tilespmem:s14], [sflag:$0x2] =	stream.indirect.gather [spmem:s2], $0x80, s25, s12, $0xb8;
	[tilespmem:$0x11328] =	vst v63  }
0x46: {  	_ =	swait.ge [sflag:s26], $0x4000  }
0x47: {  	[sflag:s26] =	ssyncset.done $0x0  }
0x48: {  	[sflag:s26] =	ssyncadd.s32 $0xFFFFC000  }
0x49: {  	[hbm4b:s9+s3] =	stream.linear.scatter [tilespmem:s18], [sflag:$0x8], $0x4000, $0x38;
	[tilespmem:$0x11328] =	vst v63  }
0x4a: {  	_ =	swait.ge [sflag:s28], $0x4000  }
0x4b: {  	[sflag:s28] =	ssyncset.done $0x0  }
0x4c: {  	s1 =	simm.s32 $0x0;
	s0 =	simm.s32 $0x500;
	[sflag:s28] =	ssyncadd.s32 $0xFFFFC000  }
0x4d: {  	[tilespmem:s16], [sflag:$0x3] =	stream.indirect.gather [spmem:s2], $0x80, s29, s12, $0xb8;
	[tilespmem:$0x11328] =	vst v63  }
.LBB2_2:
0x4e: {  	_ =	swait.ge [sflag:s19], $0x4000  }
0x4f: {  	s15 =	sadd.s32 s1, s10;
	[sflag:s19] =	ssyncset.done $0x0  }
0x50: {  	s17 =	sadd.s32 $0x2000, s15;
	[sflag:s19] =	ssyncadd.s32 $0xFFFFC000  }
0x51: {  	[hbm4b:s17+s3] =	stream.linear.scatter [tilespmem:s13], [sflag:$0x5], $0x4000, $0x38;
	[tilespmem:$0x11328] =	vst v63  }
0x52: {  	_ =	swait.ge [sflag:s30], $0x4000  }
0x53: {  	[sflag:s30] =	ssyncset.done $0x0  }
0x54: {  	s25 =	sadd.s32 $0xFFFFFE80, s0;
	[sflag:s30] =	ssyncadd.s32 $0xFFFFC000  }
0x55: {  	[tilespmem:s18], [sflag:$0x4] =	stream.indirect.gather [spmem:s2], $0x80, s25, s12, $0xb8;
	[tilespmem:$0x11328] =	vst v63  }
0x56: {  	_ =	swait.ge [sflag:s20], $0x4000  }
0x57: {  	[sflag:s20] =	ssyncset.done $0x0  }
0x58: {  	s22 =	sadd.s32 $0x2800, s15;
	[sflag:s20] =	ssyncadd.s32 $0xFFFFC000  }
0x59: {  	[hbm4b:s22+s3] =	stream.linear.scatter [tilespmem:s14], [sflag:$0x6], $0x4000, $0x38;
	[tilespmem:$0x11328] =	vst v63  }
0x5a: {  	p1 =	seq.s32 s1, $0xC000;
	_ =	swait.ge [sflag:s21], $0x4000  }
0x5b: {  	s17 =	sadd.s32 @!p1 $0xFFFFFF00, s0;
	[sflag:s21] =	ssyncset.done $0x0  }
0x5c: {  	s25 =	simm.s32 @!p1 $0x1000;
	s22 =	simm.s32 @!p1 $0x80;
	[sflag:s21] =	ssyncadd.s32 $0xFFFFC000  }
0x5d: {  	[tilespmem:s25], [sflag:$0x1] =	stream.indirect.gather @!p1 [spmem:s2], $0x80, s17, s22, $0xb8;
	[tilespmem:$0x11328] =	vst v63  }
0x5e: {  	_ =	swait.ge [sflag:s23], $0x4000  }
0x5f: {  	[sflag:s23] =	ssyncset.done $0x0  }
0x60: {  	s25 =	sadd.s32 $0x3000, s15;
	[sflag:s23] =	ssyncadd.s32 $0xFFFFC000  }
0x61: {  	[hbm4b:s25+s3] =	stream.linear.scatter [tilespmem:s16], [sflag:$0x7], $0x4000, $0x38;
	[tilespmem:$0x11328] =	vst v63  }
0x62: {  	_ =	swait.ge [sflag:s24], $0x4000  }
0x63: {  	[sflag:s24] =	ssyncset.done $0x0  }
0x64: {  	s17 =	sadd.s32 @!p1 $0xFFFFFF80, s0;
	s25 =	simm.s32 @!p1 $0x5000;
	[sflag:s24] =	ssyncadd.s32 $0xFFFFC000  }
0x65: {  	[tilespmem:s25], [sflag:$0x2] =	stream.indirect.gather @!p1 [spmem:s2], $0x80, s17, s22, $0xb8;
	[tilespmem:$0x11328] =	vst v63  }
0x66: {  	_ =	swait.ge [sflag:s26], $0x4000  }
0x67: {  	[sflag:s26] =	ssyncset.done $0x0  }
.Ltmp2:
0x68: {  	s15 =	sadd.s32 $0x3800, s15;
	[sflag:s26] =	ssyncadd.s32 $0xFFFFC000;
	(pc) =	sbr.rel @p1 .LBB2_4-.Ltmp2, $4  }
0x69: {  	[hbm4b:s15+s3] =	stream.linear.scatter [tilespmem:s18], [sflag:$0x8], $0x4000, $0x38;
	[tilespmem:$0x11328] =	vst v63  }
0x6a: {  	_ =	swait.ge [sflag:s28], $0x4000  }
0x6b: {  	[sflag:s28] =	ssyncset.done $0x0  }
0x6c: {  	[sflag:s28] =	ssyncadd.s32 $0xFFFFC000  }
.Ltmp3:
0x6d: {  	(pc) =	sbr.rel .LBB2_2-.Ltmp3, $3  }
0x6e: {  	_ =	sdelay $0x1  }
0x6f: {  	[tilespmem:s16], [sflag:$0x3] =	stream.indirect.gather [spmem:s2], $0x80, s0, s12, $0xb8;
	[tilespmem:$0x11328] =	vst v63  }
0x70: {  	s1 =	sadd.s32 $0x2000, s1;
	s0 =	sadd.s32 $0x200, s0  }
.LBB2_5:
0x71: {  	_ =	sfence.sel $0x180000  }
0x72: {  	[bflag:$0x0] =	sbarrier.arrive $0xFFFF  }
0x73: {  	_ =	strace $0x90000047  }
0x74: {  	[bflag:$0x2] =	sbarrier.arrive $0xFFFF  }
0x75: {  	s0 =	rddreg [dreg:$0x4]  }
0x76: {  	s0 =	sadd.s32 @!p0 $0x100000, s0  }
0x77: {  	[sflag:s0] =	ssyncadd.tile.s32 @!p0 $0x1;
	_ =	shalt  }
.Lfunc_end2:
_tile_overlayer_lowered:
.L_overlay_start_2:
0x78: {  	(tag) =	ssettag $0x2  }
0x79: {  	s0 =	rddreg [dreg:$0x0];
	s2 =	stileid.u32  }
0x7a: {  	s1 =	rddreg [dreg:$0x1];
	p0 =	sne.s32 s2, $0x0  }
0x7b: {  	s3 =	rddreg [dreg:$0x2];
	[bflag:$0x3] =	sbarrier.arrive $0xFFFF;
	s2 =	simm.s32 @!p0 $0x1C0A  }
0x7c: {  	[timem:s3], [sflag:s2] =	dma.local @!p0 [hbm:s0], s1  }
0x7d: {  	s0 =	simm.s32 @!p0 $0xA  }
0x7e: {  	_ =	swait.ge @!p0 [sflag:s0], s1  }
0x7f: {  	s1 =	ssub.s32 @!p0 $0x0, s1;
	[sflag:s0] =	ssyncset.done @!p0 $0x0  }
0x80: {  	[sflag:s0] =	ssyncadd.s32 @!p0 s1  }
0x81: {  	[bflag:$0x3] =	sbarrier.arrive $0xFFFF  }
0x82: {  	_ =	shalt  }

</sc_bundles>
